<compile_context>
chip_gen: v7x
topology: tpu7x:2x2x1
jax: 0.10.2.dev20260603
libtpu: 0.0.44.dev20260713+nightly
codegen_flags: <defaults>
</compile_context>

<pallas_src>
import functools

import jax
import jax.numpy as jnp
from jax import lax
from jax.experimental import pallas as pl
from jax.experimental.pallas import tpu as pltpu
from jax.experimental.pallas import tpu_sc as plsc

NC = 2
NS = 16
CH = 128
NBUF = 1
NPH = 1


def _proj_body(num_rels, num_bases, n_nodes,
               x_ref, basis_ref, wc_ref, lw_ref, src_ref, et_ref,
               proj_ref, selfh_ref, gidx_ref):
  x = x_ref[...]
  t = [jnp.dot(x, basis_ref[b], preferred_element_type=jnp.float32,
               precision=lax.Precision.HIGHEST)
       for b in range(num_bases)]
  for r in range(num_rels):
    acc = t[0] * wc_ref[r, 0]
    for b in range(1, num_bases):
      acc = acc + t[b] * wc_ref[r, b]
    proj_ref[r] = acc
  selfh_ref[...] = jnp.dot(x, lw_ref[...], preferred_element_type=jnp.float32,
                           precision=lax.Precision.HIGHEST)
  gidx_ref[...] = et_ref[...] * jnp.int32(n_nodes) + src_ref[...]


def _final_body(p_ref, selfh_ref, bias_ref, gamma_ref, beta_ref, out_ref):
  h = selfh_ref[...] + bias_ref[...]
  for c in range(p_ref.shape[0]):
    h = h + p_ref[c]
  h = jnp.where(h > 0, h, jnp.float32(0.1) * h)
  mean = jnp.mean(h, axis=-1, keepdims=True)
  d = h - mean
  var = jnp.mean(d * d, axis=-1, keepdims=True)
  out_ref[...] = d * lax.rsqrt(var + jnp.float32(1e-5)) * gamma_ref[...] \
      + beta_ref[...]


def _sc_body(n_pad, n_chunks_per_worker,
             proj_hbm, gidx_hbm, dst_hbm, zeros_hbm, out_hbm,
             gidx_v, dst_v, rows_v, agg_sh):
  cid = lax.axis_index("c")
  sid = lax.axis_index("s")
  wid = cid * NS + sid
  rows_per_tile = n_pad // NS
  ncw = n_chunks_per_worker

  pltpu.sync_copy(zeros_hbm.at[pl.ds(sid * rows_per_tile, rows_per_tile)],
                  agg_sh.at[pl.ds(sid * rows_per_tile, rows_per_tile)])
  pltpu.sync_copy(gidx_hbm.at[pl.ds(wid * ncw * CH, ncw * CH)], gidx_v)
  pltpu.sync_copy(dst_hbm.at[wid], dst_v)
  plsc.subcore_barrier()

  def chunk(j, carry):
    pltpu.sync_copy(proj_hbm.at[gidx_v.at[pl.ds(j * CH, CH)]], rows_v)
    pltpu.sync_copy(rows_v, agg_sh.at[dst_v.at[j]], add=True)
    return carry

  lax.fori_loop(0, ncw, chunk, 0)
  plsc.subcore_barrier()

  pltpu.sync_copy(
      agg_sh.at[pl.ds(sid * rows_per_tile, rows_per_tile)],
      out_hbm.at[pl.ds(cid * n_pad + sid * rows_per_tile, rows_per_tile)])


def kernel(node_feat, edge_index, edge_types, basis, w_comp, loop_weight,
           bias, ln_gamma, ln_beta):
  n, in_feat = node_feat.shape
  num_bases, _, out_feat = basis.shape
  num_rels = w_comp.shape[0]
  e = edge_index.shape[1]

  src = edge_index[0].astype(jnp.int32)
  dst = edge_index[1].astype(jnp.int32)
  et = edge_types.astype(jnp.int32)

  nb = 1000
  n_blocks = n // nb
  ew = e // n_blocks
  src2d = src.reshape(n_blocks, ew // 128, 128)
  et2d = et.reshape(n_blocks, ew // 128, 128)

  proj, selfh, gidx2d = pl.pallas_call(
      functools.partial(_proj_body, num_rels, num_bases, n),
      grid=(n_blocks,),
      in_specs=[
          pl.BlockSpec((nb, in_feat), lambda i: (i, 0)),
          pl.BlockSpec((num_bases, in_feat, out_feat), lambda i: (0, 0, 0)),
          pl.BlockSpec(memory_space=pltpu.SMEM),
          pl.BlockSpec((in_feat, out_feat), lambda i: (0, 0)),
          pl.BlockSpec((1, ew // 128, 128), lambda i: (i, 0, 0)),
          pl.BlockSpec((1, ew // 128, 128), lambda i: (i, 0, 0)),
      ],
      out_specs=[
          pl.BlockSpec((num_rels, nb, out_feat), lambda i: (0, i, 0)),
          pl.BlockSpec((nb, out_feat), lambda i: (i, 0)),
          pl.BlockSpec((1, ew // 128, 128), lambda i: (i, 0, 0)),
      ],
      out_shape=[
          jax.ShapeDtypeStruct((num_rels, n, out_feat), jnp.float32),
          jax.ShapeDtypeStruct((n, out_feat), jnp.float32),
          jax.ShapeDtypeStruct((n_blocks, ew // 128, 128), jnp.int32),
      ],
  )(node_feat, basis, w_comp, loop_weight, src2d, et2d)

  n_workers = NC * NS
  npad = ((n + 8 * NS - 1) // (8 * NS)) * (8 * NS)
  chunk_quant = n_workers * CH
  ncw = -(-e // chunk_quant)
  quant = NPH * NBUF
  ncw = -(-ncw // quant) * quant
  e_pad = n_workers * ncw * CH
  proj_flat = proj.reshape(num_rels * n, out_feat)
  gidx_flat = gidx2d.reshape(e)
  pad = e_pad - e
  trash = n + jnp.arange(pad, dtype=jnp.int32) % jnp.int32(npad - n)
  gidx_c = jnp.concatenate([gidx_flat, jnp.zeros((pad,), jnp.int32)])
  dst_c = jnp.concatenate([dst, trash]).reshape(n_workers * NPH,
                                                ncw // NPH, CH)
  zeros = jnp.zeros((npad, out_feat), jnp.float32)

  sc_fn = pl.kernel(
      functools.partial(_sc_body, npad, ncw),
      out_type=jax.ShapeDtypeStruct((NC * npad, out_feat), jnp.float32),
      mesh=plsc.VectorSubcoreMesh(core_axis_name="c", subcore_axis_name="s",
                                  num_cores=NC, num_subcores=NS),
      compiler_params=pltpu.CompilerParams(use_tc_tiling_on_sc=False),
      scratch_types=[
          pltpu.VMEM((ncw * CH,), jnp.int32),
          pltpu.VMEM((ncw, CH), jnp.int32),
          pltpu.VMEM((CH, out_feat), jnp.float32),
          pltpu.VMEM_SHARED((npad, out_feat), jnp.float32),
      ],
  )
  partials = sc_fn(proj_flat, gidx_c, dst_c, zeros).reshape(NC, npad, out_feat)

  out = pl.pallas_call(
      _final_body,
      grid=(n_blocks,),
      in_specs=[
          pl.BlockSpec((NC, nb, out_feat), lambda i: (0, i, 0)),
          pl.BlockSpec((nb, out_feat), lambda i: (i, 0)),
          pl.BlockSpec((1, out_feat), lambda i: (0, 0)),
          pl.BlockSpec((1, out_feat), lambda i: (0, 0)),
          pl.BlockSpec((1, out_feat), lambda i: (0, 0)),
      ],
      out_specs=pl.BlockSpec((nb, out_feat), lambda i: (i, 0)),
      out_shape=jax.ShapeDtypeStruct((n, out_feat), jnp.float32),
  )(partials, selfh, bias.reshape(1, out_feat),
    ln_gamma.reshape(1, out_feat), ln_beta.reshape(1, out_feat))
  return out

# --- scband reference (transcript-rebuilt; emitter-appended) ---
"""Pipeline reference for scband-edge-type-rgcn-28707561406844 (READ-ONLY COPY).

The authoritative reference and input builder live on the scoring server;
editing this copy changes nothing except your own understanding.
"""

import jax, jax.numpy as jnp
import numpy as np

N = 10000
E = 320000
IN_FEAT = 128
OUT_FEAT = 128
NUM_RELS = 8
NUM_BASES = 4


def setup_inputs(seed: int = 0) -> dict:
    key = jax.random.key(seed)
    ks = jax.random.split(key, 10)
    node_feat = jax.random.normal(ks[0], (N, IN_FEAT), dtype=jnp.float32)
    edge_index = jax.random.randint(ks[1], (2, E), 0, N, dtype=jnp.int64)
    edge_types = jax.random.randint(ks[2], (E,), 0, NUM_RELS, dtype=jnp.int64)
    # RelGraphConv basis-regularized params
    basis = jax.random.normal(ks[3], (NUM_BASES, IN_FEAT, OUT_FEAT), dtype=jnp.float32) / np.sqrt(IN_FEAT)
    w_comp = jax.random.normal(ks[4], (NUM_RELS, NUM_BASES), dtype=jnp.float32) / np.sqrt(NUM_BASES)
    loop_weight = jax.random.normal(ks[5], (IN_FEAT, OUT_FEAT), dtype=jnp.float32) / np.sqrt(IN_FEAT)
    bias = jnp.zeros((OUT_FEAT,), dtype=jnp.float32)
    ln_gamma = jnp.ones((OUT_FEAT,), dtype=jnp.float32)
    ln_beta = jnp.zeros((OUT_FEAT,), dtype=jnp.float32)
    return {
        "node_feat": node_feat,
        "edge_index": edge_index,
        "edge_types": edge_types,
        "basis": basis,
        "w_comp": w_comp,
        "loop_weight": loop_weight,
        "bias": bias,
        "ln_gamma": ln_gamma,
        "ln_beta": ln_beta,
    }


def reference(node_feat, edge_index, edge_types, basis, w_comp, loop_weight, bias, ln_gamma, ln_beta):
    src = edge_index[0]
    dst = edge_index[1]
    # per-relation weight from bases: W[r] = sum_b w_comp[r,b] * basis[b]
    W = jnp.einsum('rb,bio->rio', w_comp, basis)  # [R, in, out]
    # low-memory equivalent of per-edge (x_src @ W_etype):
    # project all nodes under every relation, then gather per-edge
    proj = jnp.einsum('ni,rio->rno', node_feat, W)  # [R, N, out]
    msg = proj[edge_types, src]  # [E, out]
    # scatter-add messages to destination nodes (sum aggregation)
    agg = jnp.zeros((node_feat.shape[0], W.shape[2]), dtype=node_feat.dtype).at[dst].add(msg)
    # self-loop + bias (DGL RelGraphConv defaults: self_loop=True, bias=True)
    h = agg + node_feat @ loop_weight + bias
    # LeakyReLU(0.1)
    h = jnp.where(h > 0, h, 0.1 * h)
    # LayerNorm(out_feat)
    mean = jnp.mean(h, axis=-1, keepdims=True)
    var = jnp.var(h, axis=-1, keepdims=True)
    h = (h - mean) / jnp.sqrt(var + 1e-5) * ln_gamma + ln_beta
    return h

if __name__ == "__main__":
    import jax
    _d = setup_inputs()
    print(jax.jit(kernel)(*tuple(_d.values())))

</pallas_src>

<mosaic_0001>
#map = affine_map<(d0, d1) -> (0, 0)>
#map1 = affine_map<(d0, d1) -> (0)>
#map2 = affine_map<(d0, d1) -> (0, 0, 0)>
module attributes {stable_mosaic.version = 14 : i64} {
  func.func @_sc_body(%arg0: i32, %arg1: i32, %arg2: memref<80000x128xf32, #tpu.memory_space<hbm>>, %arg3: memref<323584xi32, #tpu.memory_space<hbm>>, %arg4: memref<32x79x128xi32, #tpu.memory_space<hbm>>, %arg5: memref<10112x128xf32, #tpu.memory_space<hbm>>, %arg6: memref<20224x128xf32, #tpu.memory_space<hbm>>, %arg7: memref<10112xi32, #tpu.memory_space<vmem>>, %arg8: memref<79x128xi32, #tpu.memory_space<vmem>>, %arg9: memref<128x128xf32, #tpu.memory_space<vmem>>, %arg10: memref<10112x128xf32, #tpu.memory_space<vmem_shared>>) attributes {dimension_semantics = [#tpu.dimension_semantics<core_parallel>, #tpu.dimension_semantics<subcore_parallel>], iteration_bounds = array<i64: 2, 16>, scalar_prefetch = 0 : i64, scratch_operands = 4 : i64, tpu.core_type = #tpu.core_type<sc_vector_subcore>, window_params = [{transform_indices = #map}, {transform_indices = #map1}, {transform_indices = #map2}, {transform_indices = #map}, {transform_indices = #map}]} {
    %mul3A = arith.constant 16 : i32
    %mul3A_0 = arith.muli %arg0, %mul3A : i32
    %add3A = arith.addi %mul3A_0, %arg1 : i32
    %mul3A_1 = arith.constant 632 : i32
    %mul3A_2 = arith.muli %arg1, %mul3A_1 : i32
    %mul3A_3 = arith.constant 632 : i32
    %mul3A_4 = arith.muli %arg1, %mul3A_3 : i32
    "tpu.region"() ({
      %run_scoped3A = tpu.sem_alloc : memref<!tpu.dma_semaphore, #tpu.memory_space<semaphore_mem>>
      %dma_start3A = arith.constant 0 : i32
      %dma_start3A_22 = tpu.memref_slice %arg10[%mul3A_4, %dma_start3A] : memref<10112x128xf32, #tpu.memory_space<vmem_shared>> -> memref<632x128xf32, #tpu.memory_space<vmem_shared>>
      %dma_start3A_23 = arith.constant 0 : i32
      %dma_start3A_24 = tpu.memref_slice %arg5[%mul3A_2, %dma_start3A_23] : memref<10112x128xf32, #tpu.memory_space<hbm>> -> memref<632x128xf32, #tpu.memory_space<hbm>>
      tpu.enqueue_dma source(%dma_start3A_24 : memref<632x128xf32, #tpu.memory_space<hbm>>) target(%dma_start3A_22 : memref<632x128xf32, #tpu.memory_space<vmem_shared>>) target_semaphore(%run_scoped3A : memref<!tpu.dma_semaphore, #tpu.memory_space<semaphore_mem>>)
      %dma_wait3A = arith.constant 0 : i32
      %dma_wait3A_25 = tpu.memref_slice %arg10[%mul3A_4, %dma_wait3A] : memref<10112x128xf32, #tpu.memory_space<vmem_shared>> -> memref<632x128xf32, #tpu.memory_space<vmem_shared>>
      %dma_wait3A_26 = arith.constant 0 : i32
      %dma_wait3A_27 = tpu.memref_slice %arg5[%mul3A_2, %dma_wait3A_26] : memref<10112x128xf32, #tpu.memory_space<hbm>> -> memref<632x128xf32, #tpu.memory_space<hbm>>
      tpu.wait_dma2 semaphore(%run_scoped3A : memref<!tpu.dma_semaphore, #tpu.memory_space<semaphore_mem>>) src(%dma_wait3A_27 : memref<632x128xf32, #tpu.memory_space<hbm>>) dst(%dma_wait3A_25 : memref<632x128xf32, #tpu.memory_space<vmem_shared>>)
      tpu.yield
    }) : () -> ()
    %mul3A_5 = arith.constant 79 : i32
    %mul3A_6 = arith.muli %add3A, %mul3A_5 : i32
    %mul3A_7 = arith.constant 128 : i32
    %mul3A_8 = arith.muli %mul3A_6, %mul3A_7 : i32
    "tpu.region"() ({
      %run_scoped3A = tpu.sem_alloc : memref<!tpu.dma_semaphore, #tpu.memory_space<semaphore_mem>>
      %dma_start3A = tpu.memref_slice %arg3[%mul3A_8] : memref<323584xi32, #tpu.memory_space<hbm>> -> memref<10112xi32, #tpu.memory_space<hbm>>
      %dma_start3A_22 = tpu.memref_slice %arg3[%mul3A_8] : memref<323584xi32, #tpu.memory_space<hbm>> -> memref<10112xi32, #tpu.memory_space<hbm>>
      tpu.enqueue_dma source(%dma_start3A_22 : memref<10112xi32, #tpu.memory_space<hbm>>) target(%arg7 : memref<10112xi32, #tpu.memory_space<vmem>>) target_semaphore(%run_scoped3A : memref<!tpu.dma_semaphore, #tpu.memory_space<semaphore_mem>>)
      %dma_wait3A = tpu.memref_slice %arg3[%mul3A_8] : memref<323584xi32, #tpu.memory_space<hbm>> -> memref<10112xi32, #tpu.memory_space<hbm>>
      %dma_wait3A_23 = tpu.memref_slice %arg3[%mul3A_8] : memref<323584xi32, #tpu.memory_space<hbm>> -> memref<10112xi32, #tpu.memory_space<hbm>>
      tpu.wait_dma2 semaphore(%run_scoped3A : memref<!tpu.dma_semaphore, #tpu.memory_space<semaphore_mem>>) src(%dma_wait3A_23 : memref<10112xi32, #tpu.memory_space<hbm>>) dst(%arg7 : memref<10112xi32, #tpu.memory_space<vmem>>)
      tpu.yield
    }) : () -> ()
    "tpu.region"() ({
      %run_scoped3A = tpu.sem_alloc : memref<!tpu.dma_semaphore, #tpu.memory_space<semaphore_mem>>
      %dma_start3A = arith.constant 0 : i32
      %dma_start3A_22 = arith.constant 0 : i32
      %dma_start3A_23 = tpu.memref_slice %arg4[%add3A, %dma_start3A, %dma_start3A_22] : memref<32x79x128xi32, #tpu.memory_space<hbm>> -> memref<1x79x128xi32, #tpu.memory_space<hbm>>
      %dma_start3A_24 = tpu.memref_squeeze %dma_start3A_23 : memref<1x79x128xi32, #tpu.memory_space<hbm>> -> memref<79x128xi32, #tpu.memory_space<hbm>>
      %dma_start3A_25 = arith.constant 0 : i32
      %dma_start3A_26 = arith.constant 0 : i32
      %dma_start3A_27 = tpu.memref_slice %arg4[%add3A, %dma_start3A_25, %dma_start3A_26] : memref<32x79x128xi32, #tpu.memory_space<hbm>> -> memref<1x79x128xi32, #tpu.memory_space<hbm>>
      %dma_start3A_28 = tpu.memref_squeeze %dma_start3A_27 : memref<1x79x128xi32, #tpu.memory_space<hbm>> -> memref<79x128xi32, #tpu.memory_space<hbm>>
      tpu.enqueue_dma source(%dma_start3A_28 : memref<79x128xi32, #tpu.memory_space<hbm>>) target(%arg8 : memref<79x128xi32, #tpu.memory_space<vmem>>) target_semaphore(%run_scoped3A : memref<!tpu.dma_semaphore, #tpu.memory_space<semaphore_mem>>)
      %dma_wait3A = arith.constant 0 : i32
      %dma_wait3A_29 = arith.constant 0 : i32
      %dma_wait3A_30 = tpu.memref_slice %arg4[%add3A, %dma_wait3A, %dma_wait3A_29] : memref<32x79x128xi32, #tpu.memory_space<hbm>> -> memref<1x79x128xi32, #tpu.memory_space<hbm>>
      %dma_wait3A_31 = tpu.memref_squeeze %dma_wait3A_30 : memref<1x79x128xi32, #tpu.memory_space<hbm>> -> memref<79x128xi32, #tpu.memory_space<hbm>>
      %dma_wait3A_32 = arith.constant 0 : i32
      %dma_wait3A_33 = arith.constant 0 : i32
      %dma_wait3A_34 = tpu.memref_slice %arg4[%add3A, %dma_wait3A_32, %dma_wait3A_33] : memref<32x79x128xi32, #tpu.memory_space<hbm>> -> memref<1x79x128xi32, #tpu.memory_space<hbm>>
      %dma_wait3A_35 = tpu.memref_squeeze %dma_wait3A_34 : memref<1x79x128xi32, #tpu.memory_space<hbm>> -> memref<79x128xi32, #tpu.memory_space<hbm>>
      tpu.wait_dma2 semaphore(%run_scoped3A : memref<!tpu.dma_semaphore, #tpu.memory_space<semaphore_mem>>) src(%dma_wait3A_35 : memref<79x128xi32, #tpu.memory_space<hbm>>) dst(%arg8 : memref<79x128xi32, #tpu.memory_space<vmem>>)
      tpu.yield
    }) : () -> ()
    %barrier3A = arith.constant 0 : index
    tpu.barrier barrier_id(%barrier3A)
    %scan3A = arith.constant 0 : i32
    %scan3A_9 = arith.constant 0 : i32
    %scan3A_10 = arith.constant 79 : i32
    %scan3A_11 = arith.addi %scan3A_9, %scan3A_10 : i32
    %scan3A_12 = arith.constant 1 : i32
    scf.for %scan3A_22 = %scan3A_9 to %scan3A_11 step %scan3A_12  : i32 {
      %mul3A_23 = arith.constant 128 : i32
      %mul3A_24 = arith.muli %scan3A_22, %mul3A_23 : i32
      "tpu.region"() ({
        %run_scoped3A = tpu.sem_alloc : memref<!tpu.dma_semaphore, #tpu.memory_space<semaphore_mem>>
        %dma_start3A = tpu.memref_slice %arg7[%mul3A_24] : memref<10112xi32, #tpu.memory_space<vmem>> -> memref<128xi32, #tpu.memory_space<vmem>>
        %dma_start3A_25 = arith.constant 0 : i32
        %dma_start3A_26 = arith.constant 0 : i32
        %dma_start3A_27 = tpu.memref_slice %arg2[%dma_start3A_25, %dma_start3A_26] : memref<80000x128xf32, #tpu.memory_space<hbm>> -> memref<80000x128xf32, #tpu.memory_space<hbm>>
        tpu.enqueue_indirect_dma source(%dma_start3A_27 : memref<80000x128xf32, #tpu.memory_space<hbm>>) target(%arg9 : memref<128x128xf32, #tpu.memory_space<vmem>>) offsets(%dma_start3A : memref<128xi32, #tpu.memory_space<vmem>>) semaphore(%run_scoped3A : memref<!tpu.dma_semaphore, #tpu.memory_space<semaphore_mem>>)
        %dma_wait3A = tpu.memref_slice %arg7[%mul3A_24] : memref<10112xi32, #tpu.memory_space<vmem>> -> memref<128xi32, #tpu.memory_space<vmem>>
        %dma_wait3A_28 = arith.constant 0 : i32
        %dma_wait3A_29 = arith.constant 0 : i32
        %dma_wait3A_30 = tpu.memref_slice %arg2[%dma_wait3A_28, %dma_wait3A_29] : memref<80000x128xf32, #tpu.memory_space<hbm>> -> memref<80000x128xf32, #tpu.memory_space<hbm>>
        tpu.wait_indirect_dma semaphore(%run_scoped3A : memref<!tpu.dma_semaphore, #tpu.memory_space<semaphore_mem>>) src(%dma_wait3A_30 : memref<80000x128xf32, #tpu.memory_space<hbm>>) dst(%arg9 : memref<128x128xf32, #tpu.memory_space<vmem>>)
        tpu.yield
      }) : () -> ()
      "tpu.region"() ({
        %run_scoped3A = tpu.sem_alloc : memref<!tpu.dma_semaphore, #tpu.memory_space<semaphore_mem>>
        %dma_start3A = arith.constant 0 : i32
        %dma_start3A_25 = tpu.memref_slice %arg8[%scan3A_22, %dma_start3A] : memref<79x128xi32, #tpu.memory_space<vmem>> -> memref<1x128xi32, #tpu.memory_space<vmem>>
        %dma_start3A_26 = tpu.memref_squeeze %dma_start3A_25 : memref<1x128xi32, #tpu.memory_space<vmem>> -> memref<128xi32, #tpu.memory_space<vmem>>
        %dma_start3A_27 = arith.constant 0 : i32
        %dma_start3A_28 = arith.constant 0 : i32
        %dma_start3A_29 = tpu.memref_slice %arg10[%dma_start3A_27, %dma_start3A_28] : memref<10112x128xf32, #tpu.memory_space<vmem_shared>> -> memref<10112x128xf32, #tpu.memory_space<vmem_shared>>
        tpu.enqueue_indirect_dma source(%arg9 : memref<128x128xf32, #tpu.memory_space<vmem>>) target(%dma_start3A_29 : memref<10112x128xf32, #tpu.memory_space<vmem_shared>>) offsets(%dma_start3A_26 : memref<128xi32, #tpu.memory_space<vmem>>) semaphore(%run_scoped3A : memref<!tpu.dma_semaphore, #tpu.memory_space<semaphore_mem>>) {add = true}
        %dma_wait3A = arith.constant 0 : i32
        %dma_wait3A_30 = tpu.memref_slice %arg8[%scan3A_22, %dma_wait3A] : memref<79x128xi32, #tpu.memory_space<vmem>> -> memref<1x128xi32, #tpu.memory_space<vmem>>
        %dma_wait3A_31 = tpu.memref_squeeze %dma_wait3A_30 : memref<1x128xi32, #tpu.memory_space<vmem>> -> memref<128xi32, #tpu.memory_space<vmem>>
        %dma_wait3A_32 = arith.constant 0 : i32
        %dma_wait3A_33 = arith.constant 0 : i32
        %dma_wait3A_34 = tpu.memref_slice %arg10[%dma_wait3A_32, %dma_wait3A_33] : memref<10112x128xf32, #tpu.memory_space<vmem_shared>> -> memref<10112x128xf32, #tpu.memory_space<vmem_shared>>
        tpu.wait_indirect_dma semaphore(%run_scoped3A : memref<!tpu.dma_semaphore, #tpu.memory_space<semaphore_mem>>) src(%arg9 : memref<128x128xf32, #tpu.memory_space<vmem>>) dst(%dma_wait3A_34 : memref<10112x128xf32, #tpu.memory_space<vmem_shared>>)
        tpu.yield
      }) : () -> ()
    }
    %scan3A_13 = arith.constant 79 : i32
    %barrier3A_14 = arith.constant 0 : index
    tpu.barrier barrier_id(%barrier3A_14)
    %mul3A_15 = arith.constant 632 : i32
    %mul3A_16 = arith.muli %arg1, %mul3A_15 : i32
    %mul3A_17 = arith.constant 10112 : i32
    %mul3A_18 = arith.muli %arg0, %mul3A_17 : i32
    %mul3A_19 = arith.constant 632 : i32
    %mul3A_20 = arith.muli %arg1, %mul3A_19 : i32
    %add3A_21 = arith.addi %mul3A_18, %mul3A_20 : i32
    "tpu.region"() ({
      %run_scoped3A = tpu.sem_alloc : memref<!tpu.dma_semaphore, #tpu.memory_space<semaphore_mem>>
      %dma_start3A = arith.constant 0 : i32
      %dma_start3A_22 = tpu.memref_slice %arg6[%add3A_21, %dma_start3A] : memref<20224x128xf32, #tpu.memory_space<hbm>> -> memref<632x128xf32, #tpu.memory_space<hbm>>
      %dma_start3A_23 = arith.constant 0 : i32
      %dma_start3A_24 = tpu.memref_slice %arg10[%mul3A_16, %dma_start3A_23] : memref<10112x128xf32, #tpu.memory_space<vmem_shared>> -> memref<632x128xf32, #tpu.memory_space<vmem_shared>>
      tpu.enqueue_dma source(%dma_start3A_24 : memref<632x128xf32, #tpu.memory_space<vmem_shared>>) target(%dma_start3A_22 : memref<632x128xf32, #tpu.memory_space<hbm>>) target_semaphore(%run_scoped3A : memref<!tpu.dma_semaphore, #tpu.memory_space<semaphore_mem>>)
      %dma_wait3A = arith.constant 0 : i32
      %dma_wait3A_25 = tpu.memref_slice %arg6[%add3A_21, %dma_wait3A] : memref<20224x128xf32, #tpu.memory_space<hbm>> -> memref<632x128xf32, #tpu.memory_space<hbm>>
      %dma_wait3A_26 = arith.constant 0 : i32
      %dma_wait3A_27 = tpu.memref_slice %arg10[%mul3A_16, %dma_wait3A_26] : memref<10112x128xf32, #tpu.memory_space<vmem_shared>> -> memref<632x128xf32, #tpu.memory_space<vmem_shared>>
      tpu.wait_dma2 semaphore(%run_scoped3A : memref<!tpu.dma_semaphore, #tpu.memory_space<semaphore_mem>>) src(%dma_wait3A_27 : memref<632x128xf32, #tpu.memory_space<vmem_shared>>) dst(%dma_wait3A_25 : memref<632x128xf32, #tpu.memory_space<hbm>>)
      tpu.yield
    }) : () -> ()
    return
  }
}

module attributes {stable_mosaic.version = 14 : i64} {
  func.func @_proj_body(%arg0: i32, %arg1: memref<1000x128xf32, #tpu.memory_space<vmem>>, %arg2: memref<4x128x128xf32, #tpu.memory_space<vmem>>, %arg3: memref<8x4xf32, #tpu.memory_space<smem>>, %arg4: memref<128x128xf32, #tpu.memory_space<vmem>>, %arg5: memref<1x250x128xi32, #tpu.memory_space<vmem>>, %arg6: memref<1x250x128xi32, #tpu.memory_space<vmem>>, %arg7: memref<8x1000x128xf32, #tpu.memory_space<vmem>>, %arg8: memref<1000x128xf32, #tpu.memory_space<vmem>>, %arg9: memref<1x250x128xi32, #tpu.memory_space<vmem>>) attributes {dimension_semantics = [#tpu.dimension_semantics<arbitrary>], iteration_bounds = array<i64: 10>, scalar_prefetch = 0 : i64, scratch_operands = 0 : i64, tpu.core_type = #tpu.core_type<tc>, window_params = [{transform_indices = @transform_0, window_bounds = array<i64: 1000, 128>}, {pipeline_mode = #tpu.pipeline_mode<synchronous>, transform_indices = @transform_1, window_bounds = array<i64: 4, 128, 128>}, {transform_indices = @transform_2, window_bounds = array<i64: 8, 4>}, {pipeline_mode = #tpu.pipeline_mode<synchronous>, transform_indices = @transform_3, window_bounds = array<i64: 128, 128>}, {transform_indices = @transform_4, window_bounds = array<i64: 1, 250, 128>}, {transform_indices = @transform_5, window_bounds = array<i64: 1, 250, 128>}, {transform_indices = @transform_6, window_bounds = array<i64: 8, 1000, 128>}, {transform_indices = @transform_7, window_bounds = array<i64: 1000, 128>}, {transform_indices = @transform_8, window_bounds = array<i64: 1, 250, 128>}]} {
    %get3A = arith.constant 0 : index
    %get3A_0 = arith.constant 0 : index
    %get3A_1 = vector.load %arg1[%get3A, %get3A_0] : memref<1000x128xf32, #tpu.memory_space<vmem>>, vector<1000x128xf32>
    %get3A_2 = arith.constant 0 : index
    %get3A_3 = arith.constant 0 : index
    %get3A_4 = arith.constant 0 : index
    %get3A_5 = vector.load %arg2[%get3A_2, %get3A_3, %get3A_4] : memref<4x128x128xf32, #tpu.memory_space<vmem>>, vector<1x128x128xf32>
    %get3A_6 = vector.shape_cast %get3A_5 : vector<1x128x128xf32> to vector<128x128xf32>
    %dot_general3A = arith.constant dense<0.000000e+00> : vector<1000x128xf32>
    %dot_general3A_7 = tpu.matmul %get3A_1, %get3A_6, %dot_general3A {dimension_numbers = #tpu.dot_dimension_numbers<[1], [0], [0], [1], [0, 0, 1, 1], [], []>, precision = #tpu.contract_precision<fp32>, transpose_lhs_hint = false} : vector<1000x128xf32>, vector<128x128xf32>, vector<1000x128xf32> -> vector<1000x128xf32>
    %get3A_8 = arith.constant 1 : index
    %get3A_9 = arith.constant 0 : index
    %get3A_10 = arith.constant 0 : index
    %get3A_11 = vector.load %arg2[%get3A_8, %get3A_9, %get3A_10] : memref<4x128x128xf32, #tpu.memory_space<vmem>>, vector<1x128x128xf32>
    %get3A_12 = vector.shape_cast %get3A_11 : vector<1x128x128xf32> to vector<128x128xf32>
    %dot_general3A_13 = arith.constant dense<0.000000e+00> : vector<1000x128xf32>
    %dot_general3A_14 = tpu.matmul %get3A_1, %get3A_12, %dot_general3A_13 {dimension_numbers = #tpu.dot_dimension_numbers<[1], [0], [0], [1], [0, 0, 1, 1], [], []>, precision = #tpu.contract_precision<fp32>, transpose_lhs_hint = false} : vector<1000x128xf32>, vector<128x128xf32>, vector<1000x128xf32> -> vector<1000x128xf32>
    %get3A_15 = arith.constant 2 : index
    %get3A_16 = arith.constant 0 : index
    %get3A_17 = arith.constant 0 : index
    %get3A_18 = vector.load %arg2[%get3A_15, %get3A_16, %get3A_17] : memref<4x128x128xf32, #tpu.memory_space<vmem>>, vector<1x128x128xf32>
    %get3A_19 = vector.shape_cast %get3A_18 : vector<1x128x128xf32> to vector<128x128xf32>
    %dot_general3A_20 = arith.constant dense<0.000000e+00> : vector<1000x128xf32>
    %dot_general3A_21 = tpu.matmul %get3A_1, %get3A_19, %dot_general3A_20 {dimension_numbers = #tpu.dot_dimension_numbers<[1], [0], [0], [1], [0, 0, 1, 1], [], []>, precision = #tpu.contract_precision<fp32>, transpose_lhs_hint = false} : vector<1000x128xf32>, vector<128x128xf32>, vector<1000x128xf32> -> vector<1000x128xf32>
    %get3A_22 = arith.constant 3 : index
    %get3A_23 = arith.constant 0 : index
    %get3A_24 = arith.constant 0 : index
    %get3A_25 = vector.load %arg2[%get3A_22, %get3A_23, %get3A_24] : memref<4x128x128xf32, #tpu.memory_space<vmem>>, vector<1x128x128xf32>
    %get3A_26 = vector.shape_cast %get3A_25 : vector<1x128x128xf32> to vector<128x128xf32>
    %dot_general3A_27 = arith.constant dense<0.000000e+00> : vector<1000x128xf32>
    %dot_general3A_28 = tpu.matmul %get3A_1, %get3A_26, %dot_general3A_27 {dimension_numbers = #tpu.dot_dimension_numbers<[1], [0], [0], [1], [0, 0, 1, 1], [], []>, precision = #tpu.contract_precision<fp32>, transpose_lhs_hint = false} : vector<1000x128xf32>, vector<128x128xf32>, vector<1000x128xf32> -> vector<1000x128xf32>
    %get3A_29 = arith.constant 0 : index
    %get3A_30 = arith.constant 0 : index
    %get3A_31 = memref.load %arg3[%get3A_29, %get3A_30] : memref<8x4xf32, #tpu.memory_space<smem>>
    %mul3A = vector.broadcast %get3A_31 : f32 to vector<1000x128xf32>
    %mul3A_32 = arith.mulf %dot_general3A_7, %mul3A : vector<1000x128xf32>
    %get3A_33 = arith.constant 0 : index
    %get3A_34 = arith.constant 1 : index
    %get3A_35 = memref.load %arg3[%get3A_33, %get3A_34] : memref<8x4xf32, #tpu.memory_space<smem>>
    %mul3A_36 = vector.broadcast %get3A_35 : f32 to vector<1000x128xf32>
    %mul3A_37 = arith.mulf %dot_general3A_14, %mul3A_36 : vector<1000x128xf32>
    %add3A = arith.addf %mul3A_32, %mul3A_37 : vector<1000x128xf32>
    %get3A_38 = arith.constant 0 : index
    %get3A_39 = arith.constant 2 : index
    %get3A_40 = memref.load %arg3[%get3A_38, %get3A_39] : memref<8x4xf32, #tpu.memory_space<smem>>
    %mul3A_41 = vector.broadcast %get3A_40 : f32 to vector<1000x128xf32>
    %mul3A_42 = arith.mulf %dot_general3A_21, %mul3A_41 : vector<1000x128xf32>
    %add3A_43 = arith.addf %add3A, %mul3A_42 : vector<1000x128xf32>
    %get3A_44 = arith.constant 0 : index
    %get3A_45 = arith.constant 3 : index
    %get3A_46 = memref.load %arg3[%get3A_44, %get3A_45] : memref<8x4xf32, #tpu.memory_space<smem>>
    %mul3A_47 = vector.broadcast %get3A_46 : f32 to vector<1000x128xf32>
    %mul3A_48 = arith.mulf %dot_general3A_28, %mul3A_47 : vector<1000x128xf32>
    %add3A_49 = arith.addf %add3A_43, %mul3A_48 : vector<1000x128xf32>
    %swap3A = arith.constant 0 : index
    %swap3A_50 = arith.constant 0 : index
    %swap3A_51 = arith.constant 0 : index
    %swap3A_52 = vector.load %arg7[%swap3A, %swap3A_50, %swap3A_51] : memref<8x1000x128xf32, #tpu.memory_space<vmem>>, vector<1x1000x128xf32>
    %swap3A_53 = vector.shape_cast %swap3A_52 : vector<1x1000x128xf32> to vector<1000x128xf32>
    %swap3A_54 = vector.shape_cast %add3A_49 : vector<1000x128xf32> to vector<1x1000x128xf32>
    tpu.vector_store %arg7[%swap3A, %swap3A_50, %swap3A_51], %swap3A_54 {strides = array<i32>} : memref<8x1000x128xf32, #tpu.memory_space<vmem>>, vector<1x1000x128xf32>,
    %get3A_55 = arith.constant 1 : index
    %get3A_56 = arith.constant 0 : index
    %get3A_57 = memref.load %arg3[%get3A_55, %get3A_56] : memref<8x4xf32, #tpu.memory_space<smem>>
    %mul3A_58 = vector.broadcast %get3A_57 : f32 to vector<1000x128xf32>
    %mul3A_59 = arith.mulf %dot_general3A_7, %mul3A_58 : vector<1000x128xf32>
    %get3A_60 = arith.constant 1 : index
    %get3A_61 = arith.constant 1 : index
    %get3A_62 = memref.load %arg3[%get3A_60, %get3A_61] : memref<8x4xf32, #tpu.memory_space<smem>>
    %mul3A_63 = vector.broadcast %get3A_62 : f32 to vector<1000x128xf32>
    %mul3A_64 = arith.mulf %dot_general3A_14, %mul3A_63 : vector<1000x128xf32>
    %add3A_65 = arith.addf %mul3A_59, %mul3A_64 : vector<1000x128xf32>
    %get3A_66 = arith.constant 1 : index
    %get3A_67 = arith.constant 2 : index
    %get3A_68 = memref.load %arg3[%get3A_66, %get3A_67] : memref<8x4xf32, #tpu.memory_space<smem>>
    %mul3A_69 = vector.broadcast %get3A_68 : f32 to vector<1000x128xf32>
    %mul3A_70 = arith.mulf %dot_general3A_21, %mul3A_69 : vector<1000x128xf32>
    %add3A_71 = arith.addf %add3A_65, %mul3A_70 : vector<1000x128xf32>
    %get3A_72 = arith.constant 1 : index
    %get3A_73 = arith.constant 3 : index
    %get3A_74 = memref.load %arg3[%get3A_72, %get3A_73] : memref<8x4xf32, #tpu.memory_space<smem>>
    %mul3A_75 = vector.broadcast %get3A_74 : f32 to vector<1000x128xf32>
    %mul3A_76 = arith.mulf %dot_general3A_28, %mul3A_75 : vector<1000x128xf32>
    %add3A_77 = arith.addf %add3A_71, %mul3A_76 : vector<1000x128xf32>
    %swap3A_78 = arith.constant 1 : index
    %swap3A_79 = arith.constant 0 : index
    %swap3A_80 = arith.constant 0 : index
    %swap3A_81 = vector.load %arg7[%swap3A_78, %swap3A_79, %swap3A_80] : memref<8x1000x128xf32, #tpu.memory_space<vmem>>, vector<1x1000x128xf32>
    %swap3A_82 = vector.shape_cast %swap3A_81 : vector<1x1000x128xf32> to vector<1000x128xf32>
    %swap3A_83 = vector.shape_cast %add3A_77 : vector<1000x128xf32> to vector<1x1000x128xf32>
    tpu.vector_store %arg7[%swap3A_78, %swap3A_79, %swap3A_80], %swap3A_83 {strides = array<i32>} : memref<8x1000x128xf32, #tpu.memory_space<vmem>>, vector<1x1000x128xf32>,
    %get3A_84 = arith.constant 2 : index
    %get3A_85 = arith.constant 0 : index
    %get3A_86 = memref.load %arg3[%get3A_84, %get3A_85] : memref<8x4xf32, #tpu.memory_space<smem>>
    %mul3A_87 = vector.broadcast %get3A_86 : f32 to vector<1000x128xf32>
    %mul3A_88 = arith.mulf %dot_general3A_7, %mul3A_87 : vector<1000x128xf32>
    %get3A_89 = arith.constant 2 : index
    %get3A_90 = arith.constant 1 : index
    %get3A_91 = memref.load %arg3[%get3A_89, %get3A_90] : memref<8x4xf32, #tpu.memory_space<smem>>
    %mul3A_92 = vector.broadcast %get3A_91 : f32 to vector<1000x128xf32>
    %mul3A_93 = arith.mulf %dot_general3A_14, %mul3A_92 : vector<1000x128xf32>
    %add3A_94 = arith.addf %mul3A_88, %mul3A_93 : vector<1000x128xf32>
    %get3A_95 = arith.constant 2 : index
    %get3A_96 = arith.constant 2 : index
    %get3A_97 = memref.load %arg3[%get3A_95, %get3A_96] : memref<8x4xf32, #tpu.memory_space<smem>>
    %mul3A_98 = vector.broadcast %get3A_97 : f32 to vector<1000x128xf32>
    %mul3A_99 = arith.mulf %dot_general3A_21, %mul3A_98 : vector<1000x128xf32>
    %add3A_100 = arith.addf %add3A_94, %mul3A_99 : vector<1000x128xf32>
    %get3A_101 = arith.constant 2 : index
    %get3A_102 = arith.constant 3 : index
    %get3A_103 = memref.load %arg3[%get3A_101, %get3A_102] : memref<8x4xf32, #tpu.memory_space<smem>>
    %mul3A_104 = vector.broadcast %get3A_103 : f32 to vector<1000x128xf32>
    %mul3A_105 = arith.mulf %dot_general3A_28, %mul3A_104 : vector<1000x128xf32>
    %add3A_106 = arith.addf %add3A_100, %mul3A_105 : vector<1000x128xf32>
    %swap3A_107 = arith.constant 2 : index
    %swap3A_108 = arith.constant 0 : index
    %swap3A_109 = arith.constant 0 : index
    %swap3A_110 = vector.load %arg7[%swap3A_107, %swap3A_108, %swap3A_109] : memref<8x1000x128xf32, #tpu.memory_space<vmem>>, vector<1x1000x128xf32>
    %swap3A_111 = vector.shape_cast %swap3A_110 : vector<1x1000x128xf32> to vector<1000x128xf32>
    %swap3A_112 = vector.shape_cast %add3A_106 : vector<1000x128xf32> to vector<1x1000x128xf32>
    tpu.vector_store %arg7[%swap3A_107, %swap3A_108, %swap3A_109], %swap3A_112 {strides = array<i32>} : memref<8x1000x128xf32, #tpu.memory_space<vmem>>, vector<1x1000x128xf32>,
    %get3A_113 = arith.constant 3 : index
    %get3A_114 = arith.constant 0 : index
    %get3A_115 = memref.load %arg3[%get3A_113, %get3A_114] : memref<8x4xf32, #tpu.memory_space<smem>>
    %mul3A_116 = vector.broadcast %get3A_115 : f32 to vector<1000x128xf32>
    %mul3A_117 = arith.mulf %dot_general3A_7, %mul3A_116 : vector<1000x128xf32>
    %get3A_118 = arith.constant 3 : index
    %get3A_119 = arith.constant 1 : index
    %get3A_120 = memref.load %arg3[%get3A_118, %get3A_119] : memref<8x4xf32, #tpu.memory_space<smem>>
    %mul3A_121 = vector.broadcast %get3A_120 : f32 to vector<1000x128xf32>
    %mul3A_122 = arith.mulf %dot_general3A_14, %mul3A_121 : vector<1000x128xf32>
    %add3A_123 = arith.addf %mul3A_117, %mul3A_122 : vector<1000x128xf32>
    %get3A_124 = arith.constant 3 : index
    %get3A_125 = arith.constant 2 : index
    %get3A_126 = memref.load %arg3[%get3A_124, %get3A_125] : memref<8x4xf32, #tpu.memory_space<smem>>
    %mul3A_127 = vector.broadcast %get3A_126 : f32 to vector<1000x128xf32>
    %mul3A_128 = arith.mulf %dot_general3A_21, %mul3A_127 : vector<1000x128xf32>
    %add3A_129 = arith.addf %add3A_123, %mul3A_128 : vector<1000x128xf32>
    %get3A_130 = arith.constant 3 : index
    %get3A_131 = arith.constant 3 : index
    %get3A_132 = memref.load %arg3[%get3A_130, %get3A_131] : memref<8x4xf32, #tpu.memory_space<smem>>
    %mul3A_133 = vector.broadcast %get3A_132 : f32 to vector<1000x128xf32>
    %mul3A_134 = arith.mulf %dot_general3A_28, %mul3A_133 : vector<1000x128xf32>
    %add3A_135 = arith.addf %add3A_129, %mul3A_134 : vector<1000x128xf32>
    %swap3A_136 = arith.constant 3 : index
    %swap3A_137 = arith.constant 0 : index
    %swap3A_138 = arith.constant 0 : index
    %swap3A_139 = vector.load %arg7[%swap3A_136, %swap3A_137, %swap3A_138] : memref<8x1000x128xf32, #tpu.memory_space<vmem>>, vector<1x1000x128xf32>
    %swap3A_140 = vector.shape_cast %swap3A_139 : vector<1x1000x128xf32> to vector<1000x128xf32>
    %swap3A_141 = vector.shape_cast %add3A_135 : vector<1000x128xf32> to vector<1x1000x128xf32>
    tpu.vector_store %arg7[%swap3A_136, %swap3A_137, %swap3A_138], %swap3A_141 {strides = array<i32>} : memref<8x1000x128xf32, #tpu.memory_space<vmem>>, vector<1x1000x128xf32>,
    %get3A_142 = arith.constant 4 : index
    %get3A_143 = arith.constant 0 : index
    %get3A_144 = memref.load %arg3[%get3A_142, %get3A_143] : memref<8x4xf32, #tpu.memory_space<smem>>
    %mul3A_145 = vector.broadcast %get3A_144 : f32 to vector<1000x128xf32>
    %mul3A_146 = arith.mulf %dot_general3A_7, %mul3A_145 : vector<1000x128xf32>
    %get3A_147 = arith.constant 4 : index
    %get3A_148 = arith.constant 1 : index
    %get3A_149 = memref.load %arg3[%get3A_147, %get3A_148] : memref<8x4xf32, #tpu.memory_space<smem>>
    %mul3A_150 = vector.broadcast %get3A_149 : f32 to vector<1000x128xf32>
    %mul3A_151 = arith.mulf %dot_general3A_14, %mul3A_150 : vector<1000x128xf32>
    %add3A_152 = arith.addf %mul3A_146, %mul3A_151 : vector<1000x128xf32>
    %get3A_153 = arith.constant 4 : index
    %get3A_154 = arith.constant 2 : index
    %get3A_155 = memref.load %arg3[%get3A_153, %get3A_154] : memref<8x4xf32, #tpu.memory_space<smem>>
    %mul3A_156 = vector.broadcast %get3A_155 : f32 to vector<1000x128xf32>
    %mul3A_157 = arith.mulf %dot_general3A_21, %mul3A_156 : vector<1000x128xf32>
    %add3A_158 = arith.addf %add3A_152, %mul3A_157 : vector<1000x128xf32>
    %get3A_159 = arith.constant 4 : index
    %get3A_160 = arith.constant 3 : index
    %get3A_161 = memref.load %arg3[%get3A_159, %get3A_160] : memref<8x4xf32, #tpu.memory_space<smem>>
    %mul3A_162 = vector.broadcast %get3A_161 : f32 to vector<1000x128xf32>
    %mul3A_163 = arith.mulf %dot_general3A_28, %mul3A_162 : vector<1000x128xf32>
    %add3A_164 = arith.addf %add3A_158, %mul3A_163 : vector<1000x128xf32>
    %swap3A_165 = arith.constant 4 : index
    %swap3A_166 = arith.constant 0 : index
    %swap3A_167 = arith.constant 0 : index
    %swap3A_168 = vector.load %arg7[%swap3A_165, %swap3A_166, %swap3A_167] : memref<8x1000x128xf32, #tpu.memory_space<vmem>>, vector<1x1000x128xf32>
    %swap3A_169 = vector.shape_cast %swap3A_168 : vector<1x1000x128xf32> to vector<1000x128xf32>
    %swap3A_170 = vector.shape_cast %add3A_164 : vector<1000x128xf32> to vector<1x1000x128xf32>
    tpu.vector_store %arg7[%swap3A_165, %swap3A_166, %swap3A_167], %swap3A_170 {strides = array<i32>} : memref<8x1000x128xf32, #tpu.memory_space<vmem>>, vector<1x1000x128xf32>,
    %get3A_171 = arith.constant 5 : index
    %get3A_172 = arith.constant 0 : index
    %get3A_173 = memref.load %arg3[%get3A_171, %get3A_172] : memref<8x4xf32, #tpu.memory_space<smem>>
    %mul3A_174 = vector.broadcast %get3A_173 : f32 to vector<1000x128xf32>
    %mul3A_175 = arith.mulf %dot_general3A_7, %mul3A_174 : vector<1000x128xf32>
    %get3A_176 = arith.constant 5 : index
    %get3A_177 = arith.constant 1 : index
    %get3A_178 = memref.load %arg3[%get3A_176, %get3A_177] : memref<8x4xf32, #tpu.memory_space<smem>>
    %mul3A_179 = vector.broadcast %get3A_178 : f32 to vector<1000x128xf32>
    %mul3A_180 = arith.mulf %dot_general3A_14, %mul3A_179 : vector<1000x128xf32>
    %add3A_181 = arith.addf %mul3A_175, %mul3A_180 : vector<1000x128xf32>
    %get3A_182 = arith.constant 5 : index
    %get3A_183 = arith.constant 2 : index
    %get3A_184 = memref.load %arg3[%get3A_182, %get3A_183] : memref<8x4xf32, #tpu.memory_space<smem>>
    %mul3A_185 = vector.broadcast %get3A_184 : f32 to vector<1000x128xf32>
    %mul3A_186 = arith.mulf %dot_general3A_21, %mul3A_185 : vector<1000x128xf32>
    %add3A_187 = arith.addf %add3A_181, %mul3A_186 : vector<1000x128xf32>
    %get3A_188 = arith.constant 5 : index
    %get3A_189 = arith.constant 3 : index
    %get3A_190 = memref.load %arg3[%get3A_188, %get3A_189] : memref<8x4xf32, #tpu.memory_space<smem>>
    %mul3A_191 = vector.broadcast %get3A_190 : f32 to vector<1000x128xf32>
    %mul3A_192 = arith.mulf %dot_general3A_28, %mul3A_191 : vector<1000x128xf32>
    %add3A_193 = arith.addf %add3A_187, %mul3A_192 : vector<1000x128xf32>
    %swap3A_194 = arith.constant 5 : index
    %swap3A_195 = arith.constant 0 : index
    %swap3A_196 = arith.constant 0 : index
    %swap3A_197 = vector.load %arg7[%swap3A_194, %swap3A_195, %swap3A_196] : memref<8x1000x128xf32, #tpu.memory_space<vmem>>, vector<1x1000x128xf32>
    %swap3A_198 = vector.shape_cast %swap3A_197 : vector<1x1000x128xf32> to vector<1000x128xf32>
    %swap3A_199 = vector.shape_cast %add3A_193 : vector<1000x128xf32> to vector<1x1000x128xf32>
    tpu.vector_store %arg7[%swap3A_194, %swap3A_195, %swap3A_196], %swap3A_199 {strides = array<i32>} : memref<8x1000x128xf32, #tpu.memory_space<vmem>>, vector<1x1000x128xf32>,
    %get3A_200 = arith.constant 6 : index
    %get3A_201 = arith.constant 0 : index
    %get3A_202 = memref.load %arg3[%get3A_200, %get3A_201] : memref<8x4xf32, #tpu.memory_space<smem>>
    %mul3A_203 = vector.broadcast %get3A_202 : f32 to vector<1000x128xf32>
    %mul3A_204 = arith.mulf %dot_general3A_7, %mul3A_203 : vector<1000x128xf32>
    %get3A_205 = arith.constant 6 : index
    %get3A_206 = arith.constant 1 : index
    %get3A_207 = memref.load %arg3[%get3A_205, %get3A_206] : memref<8x4xf32, #tpu.memory_space<smem>>
    %mul3A_208 = vector.broadcast %get3A_207 : f32 to vector<1000x128xf32>
    %mul3A_209 = arith.mulf %dot_general3A_14, %mul3A_208 : vector<1000x128xf32>
    %add3A_210 = arith.addf %mul3A_204, %mul3A_209 : vector<1000x128xf32>
    %get3A_211 = arith.constant 6 : index
    %get3A_212 = arith.constant 2 : index
    %get3A_213 = memref.load %arg3[%get3A_211, %get3A_212] : memref<8x4xf32, #tpu.memory_space<smem>>
    %mul3A_214 = vector.broadcast %get3A_213 : f32 to vector<1000x128xf32>
    %mul3A_215 = arith.mulf %dot_general3A_21, %mul3A_214 : vector<1000x128xf32>
    %add3A_216 = arith.addf %add3A_210, %mul3A_215 : vector<1000x128xf32>
    %get3A_217 = arith.constant 6 : index
    %get3A_218 = arith.constant 3 : index
    %get3A_219 = memref.load %arg3[%get3A_217, %get3A_218] : memref<8x4xf32, #tpu.memory_space<smem>>
    %mul3A_220 = vector.broadcast %get3A_219 : f32 to vector<1000x128xf32>
    %mul3A_221 = arith.mulf %dot_general3A_28, %mul3A_220 : vector<1000x128xf32>
    %add3A_222 = arith.addf %add3A_216, %mul3A_221 : vector<1000x128xf32>
    %swap3A_223 = arith.constant 6 : index
    %swap3A_224 = arith.constant 0 : index
    %swap3A_225 = arith.constant 0 : index
    %swap3A_226 = vector.load %arg7[%swap3A_223, %swap3A_224, %swap3A_225] : memref<8x1000x128xf32, #tpu.memory_space<vmem>>, vector<1x1000x128xf32>
    %swap3A_227 = vector.shape_cast %swap3A_226 : vector<1x1000x128xf32> to vector<1000x128xf32>
    %swap3A_228 = vector.shape_cast %add3A_222 : vector<1000x128xf32> to vector<1x1000x128xf32>
    tpu.vector_store %arg7[%swap3A_223, %swap3A_224, %swap3A_225], %swap3A_228 {strides = array<i32>} : memref<8x1000x128xf32, #tpu.memory_space<vmem>>, vector<1x1000x128xf32>,
    %get3A_229 = arith.constant 7 : index
    %get3A_230 = arith.constant 0 : index
    %get3A_231 = memref.load %arg3[%get3A_229, %get3A_230] : memref<8x4xf32, #tpu.memory_space<smem>>
    %mul3A_232 = vector.broadcast %get3A_231 : f32 to vector<1000x128xf32>
    %mul3A_233 = arith.mulf %dot_general3A_7, %mul3A_232 : vector<1000x128xf32>
    %get3A_234 = arith.constant 7 : index
    %get3A_235 = arith.constant 1 : index
    %get3A_236 = memref.load %arg3[%get3A_234, %get3A_235] : memref<8x4xf32, #tpu.memory_space<smem>>
    %mul3A_237 = vector.broadcast %get3A_236 : f32 to vector<1000x128xf32>
    %mul3A_238 = arith.mulf %dot_general3A_14, %mul3A_237 : vector<1000x128xf32>
    %add3A_239 = arith.addf %mul3A_233, %mul3A_238 : vector<1000x128xf32>
    %get3A_240 = arith.constant 7 : index
    %get3A_241 = arith.constant 2 : index
    %get3A_242 = memref.load %arg3[%get3A_240, %get3A_241] : memref<8x4xf32, #tpu.memory_space<smem>>
    %mul3A_243 = vector.broadcast %get3A_242 : f32 to vector<1000x128xf32>
    %mul3A_244 = arith.mulf %dot_general3A_21, %mul3A_243 : vector<1000x128xf32>
    %add3A_245 = arith.addf %add3A_239, %mul3A_244 : vector<1000x128xf32>
    %get3A_246 = arith.constant 7 : index
    %get3A_247 = arith.constant 3 : index
    %get3A_248 = memref.load %arg3[%get3A_246, %get3A_247] : memref<8x4xf32, #tpu.memory_space<smem>>
    %mul3A_249 = vector.broadcast %get3A_248 : f32 to vector<1000x128xf32>
    %mul3A_250 = arith.mulf %dot_general3A_28, %mul3A_249 : vector<1000x128xf32>
    %add3A_251 = arith.addf %add3A_245, %mul3A_250 : vector<1000x128xf32>
    %swap3A_252 = arith.constant 7 : index
    %swap3A_253 = arith.constant 0 : index
    %swap3A_254 = arith.constant 0 : index
    %swap3A_255 = vector.load %arg7[%swap3A_252, %swap3A_253, %swap3A_254] : memref<8x1000x128xf32, #tpu.memory_space<vmem>>, vector<1x1000x128xf32>
    %swap3A_256 = vector.shape_cast %swap3A_255 : vector<1x1000x128xf32> to vector<1000x128xf32>
    %swap3A_257 = vector.shape_cast %add3A_251 : vector<1000x128xf32> to vector<1x1000x128xf32>
    tpu.vector_store %arg7[%swap3A_252, %swap3A_253, %swap3A_254], %swap3A_257 {strides = array<i32>} : memref<8x1000x128xf32, #tpu.memory_space<vmem>>, vector<1x1000x128xf32>,
    %get3A_258 = arith.constant 0 : index
    %get3A_259 = arith.constant 0 : index
    %get3A_260 = vector.load %arg4[%get3A_258, %get3A_259] : memref<128x128xf32, #tpu.memory_space<vmem>>, vector<128x128xf32>
    %dot_general3A_261 = arith.constant dense<0.000000e+00> : vector<1000x128xf32>
    %dot_general3A_262 = tpu.matmul %get3A_1, %get3A_260, %dot_general3A_261 {dimension_numbers = #tpu.dot_dimension_numbers<[1], [0], [0], [1], [0, 0, 1, 1], [], []>, precision = #tpu.contract_precision<fp32>, transpose_lhs_hint = false} : vector<1000x128xf32>, vector<128x128xf32>, vector<1000x128xf32> -> vector<1000x128xf32>
    %swap3A_263 = arith.constant 0 : index
    %swap3A_264 = arith.constant 0 : index
    %swap3A_265 = vector.load %arg8[%swap3A_263, %swap3A_264] : memref<1000x128xf32, #tpu.memory_space<vmem>>, vector<1000x128xf32>
    tpu.vector_store %arg8[%swap3A_263, %swap3A_264], %dot_general3A_262 {strides = array<i32>} : memref<1000x128xf32, #tpu.memory_space<vmem>>, vector<1000x128xf32>,
    %get3A_266 = arith.constant 0 : index
    %get3A_267 = arith.constant 0 : index
    %get3A_268 = arith.constant 0 : index
    %get3A_269 = vector.load %arg6[%get3A_266, %get3A_267, %get3A_268] : memref<1x250x128xi32, #tpu.memory_space<vmem>>, vector<1x250x128xi32>
    %mul3A_270 = arith.constant 10000 : i32
    %mul3A_271 = vector.broadcast %mul3A_270 : i32 to vector<1x250x128xi32>
    %mul3A_272 = arith.muli %get3A_269, %mul3A_271 : vector<1x250x128xi32>
    %get3A_273 = arith.constant 0 : index
    %get3A_274 = arith.constant 0 : index
    %get3A_275 = arith.constant 0 : index
    %get3A_276 = vector.load %arg5[%get3A_273, %get3A_274, %get3A_275] : memref<1x250x128xi32, #tpu.memory_space<vmem>>, vector<1x250x128xi32>
    %add3A_277 = arith.addi %mul3A_272, %get3A_276 : vector<1x250x128xi32>
    %swap3A_278 = arith.constant 0 : index
    %swap3A_279 = arith.constant 0 : index
    %swap3A_280 = arith.constant 0 : index
    %swap3A_281 = vector.load %arg9[%swap3A_278, %swap3A_279, %swap3A_280] : memref<1x250x128xi32, #tpu.memory_space<vmem>>, vector<1x250x128xi32>
    tpu.vector_store %arg9[%swap3A_278, %swap3A_279, %swap3A_280], %add3A_277 {strides = array<i32>} : memref<1x250x128xi32, #tpu.memory_space<vmem>>, vector<1x250x128xi32>,
    return
  }
  func.func @transform_0(%arg0: i32) -> (i32, i32) {
    %c0_i32 = arith.constant 0 : i32
    %c0_i32_0 = arith.constant 0 : i32
    return %arg0, %c0_i32 : i32, i32
  }
  func.func @transform_1(%arg0: i32) -> (i32, i32, i32) {
    %c0_i32 = arith.constant 0 : i32
    %c0_i32_0 = arith.constant 0 : i32
    %c0_i32_1 = arith.constant 0 : i32
    %c0_i32_2 = arith.constant 0 : i32
    return %c0_i32, %c0_i32_0, %c0_i32_1 : i32, i32, i32
  }
  func.func @transform_2(%arg0: i32) -> (i32, i32) {
    %c0_i32 = arith.constant 0 : i32
    %c0_i32_0 = arith.constant 0 : i32
    %c0_i32_1 = arith.constant 0 : i32
    return %c0_i32, %c0_i32_0 : i32, i32
  }
  func.func @transform_3(%arg0: i32) -> (i32, i32) {
    %c0_i32 = arith.constant 0 : i32
    %c0_i32_0 = arith.constant 0 : i32
    %c0_i32_1 = arith.constant 0 : i32
    return %c0_i32, %c0_i32_0 : i32, i32
  }
  func.func @transform_4(%arg0: i32) -> (i32, i32, i32) {
    %c0_i32 = arith.constant 0 : i32
    %c0_i32_0 = arith.constant 0 : i32
    %c0_i32_1 = arith.constant 0 : i32
    return %arg0, %c0_i32, %c0_i32_0 : i32, i32, i32
  }
  func.func @transform_5(%arg0: i32) -> (i32, i32, i32) {
    %c0_i32 = arith.constant 0 : i32
    %c0_i32_0 = arith.constant 0 : i32
    %c0_i32_1 = arith.constant 0 : i32
    return %arg0, %c0_i32, %c0_i32_0 : i32, i32, i32
  }
  func.func @transform_6(%arg0: i32) -> (i32, i32, i32) {
    %c0_i32 = arith.constant 0 : i32
    %c0_i32_0 = arith.constant 0 : i32
    %c0_i32_1 = arith.constant 0 : i32
    return %c0_i32, %arg0, %c0_i32_0 : i32, i32, i32
  }
  func.func @transform_7(%arg0: i32) -> (i32, i32) {
    %c0_i32 = arith.constant 0 : i32
    %c0_i32_0 = arith.constant 0 : i32
    return %arg0, %c0_i32 : i32, i32
  }
  func.func @transform_8(%arg0: i32) -> (i32, i32, i32) {
    %c0_i32 = arith.constant 0 : i32
    %c0_i32_0 = arith.constant 0 : i32
    %c0_i32_1 = arith.constant 0 : i32
    return %arg0, %c0_i32, %c0_i32_0 : i32, i32, i32
  }
}

module attributes {stable_mosaic.version = 14 : i64} {
  func.func @_final_body(%arg0: i32, %arg1: memref<2x1000x128xf32, #tpu.memory_space<vmem>>, %arg2: memref<1000x128xf32, #tpu.memory_space<vmem>>, %arg3: memref<1x128xf32, #tpu.memory_space<vmem>>, %arg4: memref<1x128xf32, #tpu.memory_space<vmem>>, %arg5: memref<1x128xf32, #tpu.memory_space<vmem>>, %arg6: memref<1000x128xf32, #tpu.memory_space<vmem>>) attributes {dimension_semantics = [#tpu.dimension_semantics<arbitrary>], iteration_bounds = array<i64: 10>, scalar_prefetch = 0 : i64, scratch_operands = 0 : i64, tpu.core_type = #tpu.core_type<tc>, window_params = [{transform_indices = @transform_0, window_bounds = array<i64: 2, 1000, 128>}, {transform_indices = @transform_1, window_bounds = array<i64: 1000, 128>}, {pipeline_mode = #tpu.pipeline_mode<synchronous>, transform_indices = @transform_2, window_bounds = array<i64: 1, 128>}, {pipeline_mode = #tpu.pipeline_mode<synchronous>, transform_indices = @transform_3, window_bounds = array<i64: 1, 128>}, {pipeline_mode = #tpu.pipeline_mode<synchronous>, transform_indices = @transform_4, window_bounds = array<i64: 1, 128>}, {transform_indices = @transform_5, window_bounds = array<i64: 1000, 128>}]} {
    %get3A = arith.constant 0 : index
    %get3A_0 = arith.constant 0 : index
    %get3A_1 = vector.load %arg2[%get3A, %get3A_0] : memref<1000x128xf32, #tpu.memory_space<vmem>>, vector<1000x128xf32>
    %get3A_2 = arith.constant 0 : index
    %get3A_3 = arith.constant 0 : index
    %get3A_4 = vector.load %arg3[%get3A_2, %get3A_3] : memref<1x128xf32, #tpu.memory_space<vmem>>, vector<1x128xf32>
    %add3A = vector.broadcast %get3A_4 : vector<1x128xf32> to vector<1000x128xf32>
    %add3A_5 = arith.addf %get3A_1, %add3A : vector<1000x128xf32>
    %get3A_6 = arith.constant 0 : index
    %get3A_7 = arith.constant 0 : index
    %get3A_8 = arith.constant 0 : index
    %get3A_9 = vector.load %arg1[%get3A_6, %get3A_7, %get3A_8] : memref<2x1000x128xf32, #tpu.memory_space<vmem>>, vector<1x1000x128xf32>
    %get3A_10 = vector.shape_cast %get3A_9 : vector<1x1000x128xf32> to vector<1000x128xf32>
    %add3A_11 = arith.addf %add3A_5, %get3A_10 : vector<1000x128xf32>
    %get3A_12 = arith.constant 1 : index
    %get3A_13 = arith.constant 0 : index
    %get3A_14 = arith.constant 0 : index
    %get3A_15 = vector.load %arg1[%get3A_12, %get3A_13, %get3A_14] : memref<2x1000x128xf32, #tpu.memory_space<vmem>>, vector<1x1000x128xf32>
    %get3A_16 = vector.shape_cast %get3A_15 : vector<1x1000x128xf32> to vector<1000x128xf32>
    %add3A_17 = arith.addf %add3A_11, %get3A_16 : vector<1000x128xf32>
    %gt3A = arith.constant 0.000000e+00 : f32
    %gt3A_18 = vector.broadcast %gt3A : f32 to vector<1000x128xf32>
    %gt3A_19 = arith.cmpf ogt, %add3A_17, %gt3A_18 : vector<1000x128xf32>
    %mul3A = arith.constant 1.000000e-01 : f32
    %mul3A_20 = vector.broadcast %mul3A : f32 to vector<1000x128xf32>
    %mul3A_21 = arith.mulf %mul3A_20, %add3A_17 : vector<1000x128xf32>
    %select_n3A = arith.select %gt3A_19, %add3A_17, %mul3A_21 : vector<1000x128xi1>, vector<1000x128xf32>
    %reduce_sum3A = arith.constant dense<0.000000e+00> : vector<1000xf32>
    %reduce_sum3A_22 = vector.multi_reduction <add>, %select_n3A, %reduce_sum3A [1] : vector<1000x128xf32> to vector<1000xf32>
    %broadcast_in_dim3A = vector.shape_cast %reduce_sum3A_22 : vector<1000xf32> to vector<1000x1xf32>
    %div3A = arith.constant 1.280000e+02 : f32
    %div3A_23 = vector.broadcast %div3A : f32 to vector<1000x1xf32>
    %div3A_24 = arith.divf %broadcast_in_dim3A, %div3A_23 : vector<1000x1xf32>
    %sub3A = vector.broadcast %div3A_24 : vector<1000x1xf32> to vector<1000x128xf32>
    %sub3A_25 = arith.subf %select_n3A, %sub3A : vector<1000x128xf32>
    %mul3A_26 = arith.mulf %sub3A_25, %sub3A_25 : vector<1000x128xf32>
    %reduce_sum3A_27 = arith.constant dense<0.000000e+00> : vector<1000xf32>
    %reduce_sum3A_28 = vector.multi_reduction <add>, %mul3A_26, %reduce_sum3A_27 [1] : vector<1000x128xf32> to vector<1000xf32>
    %broadcast_in_dim3A_29 = vector.shape_cast %reduce_sum3A_28 : vector<1000xf32> to vector<1000x1xf32>
    %div3A_30 = arith.constant 1.280000e+02 : f32
    %div3A_31 = vector.broadcast %div3A_30 : f32 to vector<1000x1xf32>
    %div3A_32 = arith.divf %broadcast_in_dim3A_29, %div3A_31 : vector<1000x1xf32>
    %add3A_33 = arith.constant 9.99999974E-6 : f32
    %add3A_34 = vector.broadcast %add3A_33 : f32 to vector<1000x1xf32>
    %add3A_35 = arith.addf %div3A_32, %add3A_34 : vector<1000x1xf32>
    %rsqrt3A = math.rsqrt %add3A_35 : vector<1000x1xf32>
    %mul3A_36 = vector.broadcast %rsqrt3A : vector<1000x1xf32> to vector<1000x128xf32>
    %mul3A_37 = arith.mulf %sub3A_25, %mul3A_36 : vector<1000x128xf32>
    %get3A_38 = arith.constant 0 : index
    %get3A_39 = arith.constant 0 : index
    %get3A_40 = vector.load %arg4[%get3A_38, %get3A_39] : memref<1x128xf32, #tpu.memory_space<vmem>>, vector<1x128xf32>
    %mul3A_41 = vector.broadcast %get3A_40 : vector<1x128xf32> to vector<1000x128xf32>
    %mul3A_42 = arith.mulf %mul3A_37, %mul3A_41 : vector<1000x128xf32>
    %get3A_43 = arith.constant 0 : index
    %get3A_44 = arith.constant 0 : index
    %get3A_45 = vector.load %arg5[%get3A_43, %get3A_44] : memref<1x128xf32, #tpu.memory_space<vmem>>, vector<1x128xf32>
    %add3A_46 = vector.broadcast %get3A_45 : vector<1x128xf32> to vector<1000x128xf32>
    %add3A_47 = arith.addf %mul3A_42, %add3A_46 : vector<1000x128xf32>
    %swap3A = arith.constant 0 : index
    %swap3A_48 = arith.constant 0 : index
    %swap3A_49 = vector.load %arg6[%swap3A, %swap3A_48] : memref<1000x128xf32, #tpu.memory_space<vmem>>, vector<1000x128xf32>
    tpu.vector_store %arg6[%swap3A, %swap3A_48], %add3A_47 {strides = array<i32>} : memref<1000x128xf32, #tpu.memory_space<vmem>>, vector<1000x128xf32>,
    return
  }
  func.func @transform_0(%arg0: i32) -> (i32, i32, i32) {
    %c0_i32 = arith.constant 0 : i32
    %c0_i32_0 = arith.constant 0 : i32
    %c0_i32_1 = arith.constant 0 : i32
    return %c0_i32, %arg0, %c0_i32_0 : i32, i32, i32
  }
  func.func @transform_1(%arg0: i32) -> (i32, i32) {
    %c0_i32 = arith.constant 0 : i32
    %c0_i32_0 = arith.constant 0 : i32
    return %arg0, %c0_i32 : i32, i32
  }
  func.func @transform_2(%arg0: i32) -> (i32, i32) {
    %c0_i32 = arith.constant 0 : i32
    %c0_i32_0 = arith.constant 0 : i32
    %c0_i32_1 = arith.constant 0 : i32
    return %c0_i32, %c0_i32_0 : i32, i32
  }
  func.func @transform_3(%arg0: i32) -> (i32, i32) {
    %c0_i32 = arith.constant 0 : i32
    %c0_i32_0 = arith.constant 0 : i32
    %c0_i32_1 = arith.constant 0 : i32
    return %c0_i32, %c0_i32_0 : i32, i32
  }
  func.func @transform_4(%arg0: i32) -> (i32, i32) {
    %c0_i32 = arith.constant 0 : i32
    %c0_i32_0 = arith.constant 0 : i32
    %c0_i32_1 = arith.constant 0 : i32
    return %c0_i32, %c0_i32_0 : i32, i32
  }
  func.func @transform_5(%arg0: i32) -> (i32, i32) {
    %c0_i32 = arith.constant 0 : i32
    %c0_i32_0 = arith.constant 0 : i32
    return %arg0, %c0_i32 : i32, i32
  }
}

</mosaic_0001>

<sc_bundles>
// kernel: kernel.5.cloned.1.call-start
scs
__scs_entry_jumppad:
0x0: {  	(pc) =	sbr.rel $0x88, $3  }
0x1: {  	(tag) =	ssettag $0x0;
	lr =	simm.s32 $0x1  }
0x2: {  	[smem:$0x3F98] =	sst lr;
	_ =	strace $0xD0000000  }
0x3: {  	_ = 	snop  }
0x4: {  	_ = 	snop  }
0x5: {  	_ = 	snop  }
0x6: {  	_ = 	snop  }
0x7: {  	_ = 	snop  }
__scs_overlays_trampoline_lowered:
0x8: {  	[smem:$0x3FA7] =	sst s0  }
0x9: {  	[smem:$0x3FA8] =	sst s1  }
0xa: {  	[smem:$0x3FA9] =	sst s2  }
0xb: {  	[smem:$0x3FAA] =	sst s3  }
0xc: {  	[smem:$0x3FAB] =	sst s4  }
0xd: {  	[smem:$0x3FAC] =	sst s5  }
0xe: {  	[smem:$0x3FAD] =	sst s6  }
0xf: {  	[smem:$0x3FAE] =	sst s7  }
0x10: {  	[smem:$0x3FAF] =	sst s8  }
0x11: {  	[smem:$0x3FB0] =	sst s9;
	s0 =	simm.s32 @!p0 $0x0  }
0x12: {  	s1 =	sld [smem:$0x3F96];
	s0 =	simm.s32 @p0 $0x1  }
0x13: {  	[smem:$0x3FB1] =	sst s0;
	s0 =	simm.s32 @!p1 $0x0  }
0x14: {  	s2 =	sld [smem:$0x3F95];
	s0 =	simm.s32 @p1 $0x1  }
0x15: {  	[smem:$0x3FB2] =	sst s0;
	s0 =	simm.s32 @!p2 $0x0  }
0x16: {  	s3 =	sld [smem:$0x3FDB];
	s0 =	simm.s32 @p2 $0x1  }
0x17: {  	s4 =	simm.s32 $0x1BF5;
	[smem:$0x3FB4] =	sst s0  }
0x18: {  	s0 =	sld [smem:$0x3F97];
	_ =	swait.ge [sflag:s4], $0x0  }
0x19: {  	s7 =	sld [smem:$0x3F98]  }
0x1a: {  	s8 =	sadd.s32 $0xFFFFE003, lr  }
0x1b: {  	s9 =	sadd.s32 $0xFFFFFEF7, lr;
	s5 =	simm.s32 $0xFFFFFFFF;
	p2 =	slt.u32 s8, $0xFFFFF086  }
0x1c: {  	p1 =	slt.u32 s9, $0xF7A;
	s5 =	simm.s32 @!p2 $0x0  }
0x1d: {  	s5 =	simm.s32 @p1 $0x1;
	p0 =	seq.s32 s7, s2  }
0x1e: {  	s7 =	smul.u32 @!p0 $0xF7A, s2;
	p2 =	seq.s32 @!p0 s5, $0x0  }
0x1f: {  	s9 =	smul.u32 $0xF7A, s1;
	s8 =	simm.s32 @!p0 $0x1BF5;
	p2 =	por !p2, p0  }
0x20: {  	[sflag:s8] =	ssyncset.s32 @!p0 $0xFFFFF086;
	s6 =	sadd.s32 @!p0 s3, s7;
	s7 =	simm.s32 @!p0 $0x108  }
0x21: {  	s3 =	sadd.s32 s3, s9;
	s6 =	sadd.s32 @!p0 $0x88, s6;
	s7 =	simm.s32 @p2 $0x1082  }
0x22: {  	[simem:s7], [sflag:s8] =	dma.local @!p0 [hbm:s6], $0xF7A  }
0x23: {  	s9 =	sor.u32 $0xD0000000, s2;
	s6 =	simm.s32 $0x108;
	_ =	swait.ge @!p0 [sflag:s8], $0x0  }
0x24: {  	s3 =	sadd.s32 $0x88, s3;
	s6 =	simm.s32 @!p1 $0x1082;
	[sflag:s4] =	ssyncset.s32 $0xFFFFF086  }
0x25: {  	[simem:s6], [sflag:s4] =	dma.local [hbm:s3], $0xF7A  }
0x26: {  	[smem:$0x3F98] =	sst s1;
	(tag) =	ssettag s2;
	_ =	strace s9  }
0x27: {  	s1 =	sld [smem:$0x3FA8]  }
0x28: {  	s2 =	sld [smem:$0x3FA9]  }
0x29: {  	s4 =	sld [smem:$0x3FAB]  }
0x2a: {  	p0 =	seq.s32 s5, $0x0;
	s5 =	sld [smem:$0x3FAC]  }
0x2b: {  	s6 =	sld [smem:$0x3FAD]  }
0x2c: {  	s7 =	sld [smem:$0x3FAE]  }
0x2d: {  	s3 =	simm.s32 $0x108;
	s8 =	sld [smem:$0x3FAF]  }
0x2e: {  	s3 =	simm.s32 @!p0 $0x1082;
	s9 =	sld [smem:$0x3FB0]  }
0x2f: {  	lr =	sadd.s32 s0, s3;
	s0 =	sld [smem:$0x3FA7]  }
0x30: {  	s3 =	sld [smem:$0x3FAA]  }
0x31: {  	[smem:$0x3FB3] =	sst s10  }
0x32: {  	s10 =	sld [smem:$0x3FB1];
	_ =	sdelay $0x3  }
0x33: {  	p0 =	seq.s32 s10, $0x1;
	s10 =	sld [smem:$0x3FB3];
	_ =	sdelay $0x3  }
0x34: {  	[smem:$0x3FB3] =	sst s10  }
0x35: {  	s10 =	sld [smem:$0x3FB2];
	_ =	sdelay $0x3  }
0x36: {  	p1 =	seq.s32 s10, $0x1;
	s10 =	sld [smem:$0x3FB3];
	_ =	sdelay $0x3  }
0x37: {  	[smem:$0x3FB3] =	sst s10  }
0x38: {  	s10 =	sld [smem:$0x3FB4]  }
0x39: {  	_ = 	snop;
	(pc) =	sbr.ind lr, $3  }
0x3a: {  	_ = 	snop  }
0x3b: {  	_ = 	snop  }
0x3c: {  	p2 =	seq.s32 s10, $0x1;
	s10 =	sld [smem:$0x3FB3]  }
0x3d: {  	_ =	shalt  }
0x3e: {  	_ =	shalt  }
0x3f: {  	_ =	shalt  }
0x40: {  	_ =	shalt  }
0x41: {  	_ =	shalt  }
0x42: {  	_ =	shalt  }
0x43: {  	_ =	shalt  }
0x44: {  	_ =	shalt  }
0x45: {  	_ =	shalt  }
0x46: {  	_ =	shalt  }
0x47: {  	_ =	shalt  }
0x48: {  	_ =	shalt  }
0x49: {  	_ =	shalt  }
0x4a: {  	_ =	shalt  }
0x4b: {  	_ =	shalt  }
0x4c: {  	_ =	shalt  }
0x4d: {  	_ =	shalt  }
0x4e: {  	_ =	shalt  }
0x4f: {  	_ =	shalt  }
0x50: {  	_ =	shalt  }
0x51: {  	_ =	shalt  }
0x52: {  	_ =	shalt  }
0x53: {  	_ =	shalt  }
0x54: {  	_ =	shalt  }
0x55: {  	_ =	shalt  }
0x56: {  	_ =	shalt  }
0x57: {  	_ =	shalt  }
0x58: {  	_ =	shalt  }
0x59: {  	_ =	shalt  }
0x5a: {  	_ =	shalt  }
0x5b: {  	_ =	shalt  }
0x5c: {  	_ =	shalt  }
0x5d: {  	_ =	shalt  }
0x5e: {  	_ =	shalt  }
0x5f: {  	_ =	shalt  }
0x60: {  	_ =	shalt  }
0x61: {  	_ =	shalt  }
0x62: {  	_ =	shalt  }
0x63: {  	_ =	shalt  }
0x64: {  	_ =	shalt  }
0x65: {  	_ =	shalt  }
0x66: {  	_ =	shalt  }
0x67: {  	_ =	shalt  }
0x68: {  	_ =	shalt  }
0x69: {  	_ =	shalt  }
0x6a: {  	_ =	shalt  }
0x6b: {  	_ =	shalt  }
0x6c: {  	_ =	shalt  }
0x6d: {  	_ =	shalt  }
0x6e: {  	_ =	shalt  }
0x6f: {  	_ =	shalt  }
0x70: {  	_ =	shalt  }
0x71: {  	_ =	shalt  }
0x72: {  	_ =	shalt  }
0x73: {  	_ =	shalt  }
0x74: {  	_ =	shalt  }
0x75: {  	_ =	shalt  }
0x76: {  	_ =	shalt  }
0x77: {  	_ =	shalt  }
0x78: {  	_ =	shalt  }
0x79: {  	_ =	shalt  }
0x7a: {  	_ =	shalt  }
0x7b: {  	_ =	shalt  }
0x7c: {  	_ =	shalt  }
0x7d: {  	_ =	shalt  }
0x7e: {  	_ =	shalt  }
0x7f: {  	_ =	shalt  }
0x80: {  	_ =	shalt  }
0x81: {  	_ =	shalt  }
0x82: {  	_ =	shalt  }
0x83: {  	_ =	shalt  }
0x84: {  	_ =	shalt  }
0x85: {  	_ =	shalt  }
0x86: {  	_ =	shalt  }
0x87: {  	_ =	shalt  }
.Lfunc_end0:
.L_simem_size_0:
called_computation_lowered:
.L_overlay_start_0:
0x88: {  	s2 =	sld [smem:$0x3FD9]  }
0x89: {  	s3 =	sld [smem:$0x3FFE];
	_ =	sdelay $0x1  }
0x8a: {  	s1 =	srdreg.scid  }
0x8b: {  	s0 =	sand.u32 $0x1, s1  }
0x8c: {  	s17 =	sshll.u32 s0, $0xA;
	s2 =	sadd.s32 s3, s2  }
0x8d: {  	s2 =	sadd.s32 s2, s17  }
0x8e: {  	[smem:$0x3FBF] =	sst s2  }
0x8f: {  	_ = 	snop  }
0x90: {  	s2 =	sld [smem:$0x3FD0];
	(tm) =	ssettm $0x1  }
0x91: {  	s18 =	sld [smem:$0x3FFB];
	_ =	sdelay $0x3  }
0x92: {  	_ =	strace s18  }
0x93: {  	s3 =	sld [smem:$0x3FFC];
	_ =	sdelay $0x3  }
0x94: {  	_ =	strace s3  }
0x95: {  	s3 =	sld [smem:$0x3FFD];
	_ =	sdelay $0x3  }
0x96: {  	_ =	strace s3  }
0x97: {  	_ =	strace $0x8FFFFFFF  }
0x98: {  	s19 =	sld [smem:$0x3FDB];
	_ =	sdelay $0x1  }
0x99: {  	s4 =	simm.s32 $_scs_section_size  }
0x9a: {  	s5 =	simm.s32 $_size__tile_overlayer_lowered;
	s6 =	simm.s32 $_tile_overlayer_lowered  }
0x9b: {  	s22 =	simm.s32 $0x1BFF;
	s21 =	sshll.u32 s6, $0x1;
	s3 =	sadd.s32 s4, s19  }
0x9c: {  	s7 =	simm.s32 $0x0;
	s20 =	sshll.u32 s5, $0x1;
	s5 =	sadd.s32 s21, s3  }
0x9d: {  	[timem:s7], [sflag:s22] =	dma.local [hbm:s5], s20  }
0x9e: {  	_ =	swait.ge [sflag:s22], s20  }
0x9f: {  	s4 =	ssub.s32 $0x0, s20;
	[sflag:s22] =	ssyncset.done $0x0  }
0xa0: {  	[sflag:s22] =	ssyncadd.s32 s4;
	_ =	sdelay $0x1  }
0xa1: {  	s23 =	simm.s32 $0x1B8B  }
0xa2: {  	_ =	swait.ge [sflag:s23], $0x1  }
0xa3: {  	[sflag:s23] =	ssyncset.done $0x0  }
0xa4: {  	s25 =	simm.s32 $0x1B8E;
	s24 =	sld [smem:$0x3FFE];
	[sflag:s23] =	ssyncadd.s32 $0xFFFFFFFF  }
0xa5: {  	s26 =	simm.s32 $execute0_lowered;
	[smem:$0x3FD2] =	sst s25  }
0xa6: {  	s5 =	sshll.u32 s26, $0x1;
	_ =	strace $0x80000046;
	[dreg:$0x1] =	wrdreg $0xFFFFFFFF  }
0xa7: {  	s28 =	simm.s32 $_size_execute0_lowered;
	s3 =	sadd.s32 s3, s5;
	[dreg:$0x0] =	wrdreg $0x0  }
0xa8: {  	s5 =	sshll.u32 s28, $0x1;
	[dreg:$0x2] =	wrdreg s3  }
0xa9: {  	[dreg:$0x3] =	wrdreg s5  }
0xaa: {  	[dreg:$0x4] =	wrdreg $0xC0  }
0xab: {  	_ =	task [dreg:s7], $0x5FFFF  }
0xac: {  	[dreg:$0x1] =	wrdreg $0xFFFFFFFF  }
0xad: {  	[dreg:$0x0] =	wrdreg $0x60  }
0xae: {  	[dreg:$0x2] =	wrdreg s24  }
0xaf: {  	[dreg:$0x3] =	wrdreg s2  }
0xb0: {  	[dreg:$0x4] =	wrdreg $0x8F000  }
0xb1: {  	[dreg:$0x5] =	wrdreg $0x9  }
0xb2: {  	_ =	task.clear_ibuf [dreg:s7], $0x6FFFF;
	_ =	strace $0x90000046  }
0xb3: {  	s29 =	simm.s32 $0x9;
	_ =	strace $0x80000048  }
0xb4: {  	_ =	swait.ge [sflag:s29], $0x1  }
0xb5: {  	[sflag:s29] =	ssyncadd.s32 $0xFFFFFFFF  }
0xb6: {  	_ =	strace $0x90000048  }
0xb7: {  	_ =	sfence  }
0xb8: {  	s30 =	sld [smem:$0x0];
	_ =	sdelay $0x2  }
0xb9: {  	s31 =	sshll.u32 s1, $0xD;
	s1 =	sshrl.u32 s1, $0x2  }
0xba: {  	s3 =	sand.u32 $0x4000, s31;
	s1 =	sadd.s32 s1, s30  }
0xbb: {  	s0 =	sor.u32 s3, s0;
	s1 =	sshll.u32 s1, $0x11  }
0xbc: {  	s0 =	sor.u32 s1, s0  }
0xbd: {  	s0 =	sadd.s32 $0x8F2B, s0  }
0xbe: {  	[sflag:s0] =	ssyncadd.remote.s32 $0x1  }
0xbf: {  	_ =	sfence.sel $0xFFFF  }
0xc0: {  	[dreg:$0x0] =	wrdreg $0xFFFFFFFF;
	(pc) =	sbr.abs _section_cstart, $3  }
0xc1: {  	[dreg:$0x1] =	wrdreg $0xFFFFFFFF  }
0xc2: {  	_ =	task.clear_ibuf [dreg:s7], $0x2FFFF;
	_ =	strace $0x9FFFFFFF  }
0xc3: {  	(tm) =	ssettm $0x7FFFFFFF  }
tec
execute0_lowered:
.L_overlay_start_1:
0x0: {  	(tag) =	ssettag $0x1  }
0x1: {  	s6 =	rddreg [dreg:$0x0]  }
0x2: {  	s0 =	srdreg.scid;
	s7 =	rddreg [dreg:$0x1]  }
0x3: {  	s2 =	rddreg [dreg:$0x2];
	s5 =	sand.u32 $0x1, s0;
	s0 =	stileid.u32  }
0x4: {  	s3 =	simm.s32 $0x0;
	s15 =	simm.s32 $0x4F00;
	s9 =	smul.u32 $0x13C00, s0  }
0x5: {  	s16 =	simm.s32 $0x0;
	[smem:$0x7FF] =	sst s3;
	s10 =	smul.u32 $0x2780, s0  }
0x6: {  	s4 =	sadd.s32 $0x1400, s6;
	s1 =	sshll.u32 s5, $0x4;
	s11 =	smul.u32 $0x27800, s5  }
0x7: {  	s5 =	ssub.s32 $0x2, s5;
	s31 =	sshll.u32 s0, $0x6;
	s1 =	sor.u32 s0, s1  }
0x8: {  	s29 =	sshrl.u32 s5, $0x1;
	s8 =	smul.u32 $0x4F0, s1;
	s1 =	rddreg [dreg:$0x3]  }
0x9: {  	_ =	strace $0x80000047;
	s13 =	sshrl.u32 s9, $0x3;
	s10 =	sadd.s32 s10, s11  }
0xa: {  	s30 =	ssub.s32 s5, s29;
	s14 =	sadd.s32 s9, s2;
	s28 =	sadd.s32 s13, s6  }
0xb: {  	s10 =	sadd.s32 s10, s6;
	s11 =	sshrl.u32 s14, $0x3;
	s13 =	simm.s32 $0x2780  }
0xc: {  	s14 =	simm.s32 $0x80;
	s12 =	sadd.s32 s8, s6;
	s5 =	sadd.s32 $0x143A00, s28  }
0xd: {  	s6 =	sor.u32 $0x1C01, s31;
	s7 =	sadd.s32 s7, s8;
	s9 =	sadd.s32 $0x16B200, s10  }
0xe: {  	s10 =	smax.u32 s30, $0x1;
	s8 =	sadd.s32 $0x139C00, s12;
	s12 =	simm.s32 $0x1  }
.LBB2_1:
0xf: {  	[spmem:s11], [sflag:s6] =	dma.local [hbm:s5], $0x2780  }
0x10: {  	_ =	swait.ge [sflag:s12], $0x2780  }
0x11: {  	[sflag:s12] =	ssyncset.done $0x0  }
0x12: {  	[sflag:s12] =	ssyncadd.s32 $0xFFFFD880  }
0x13: {  	[tilespmem:s3], [sflag:$0x1] =	stream.linear.gather [hbm4b:s7+s3], $0x2780, $0x38;
	[tilespmem:$0x1CB00] =	vst v63  }
0x14: {  	_ =	swait.ge [sflag:s12], $0x2780  }
0x15: {  	[sflag:s12] =	ssyncset.done $0x0  }
0x16: {  	[sflag:s12] =	ssyncadd.s32 $0xFFFFD880  }
0x17: {  	[tilespmem:s13], [sflag:$0x1] =	stream.linear.gather [hbm4b:s8+s3], $0x2780, $0x38;
	[tilespmem:$0x1CB00] =	vst v63  }
0x18: {  	_ =	swait.ge [sflag:s12], $0x2780  }
0x19: {  	[sflag:s12] =	ssyncset.done $0x0  }
0x1a: {  	[sflag:s12] =	ssyncadd.s32 $0xFFFFD880  }
0x1b: {  	s17 =	simm.s32 $0x0;
	[bflag:$0x0] =	sbarrier.arrive $0xFFFF  }
0x1c: {  	[tilespmem:s15], [sflag:$0x1] =	stream.indirect.gather [hbm4b:s4+s14], $0x80, s17, s14, $0xb8;
	[tilespmem:$0x1CB00] =	vst v63  }
0x1d: {  	_ =	swait.ge [sflag:s12], $0x4000  }
0x1e: {  	[sflag:s12] =	ssyncset.done $0x0  }
0x1f: {  	s31 =	simm.s32 $0x2780;
	[sflag:s12] =	ssyncadd.s32 $0xFFFFC000  }
0x20: {  	[spmem:s2] =	stream.indirect.scatter.add.f32 [tilespmem:s15], [sflag:$0x1], $0x80, s31, s14, $0xb8;
	[tilespmem:$0x1CB00] =	vst v63  }
0x21: {  	_ =	swait.ge [sflag:s12], $0x4000  }
0x22: {  	s18 =	simm.s32 $0x400;
	s17 =	simm.s32 $0x200;
	[sflag:s12] =	ssyncset.done $0x0  }
.LBB2_2:
0x23: {  	s19 =	sshra.s32 s17, $0x2  }
0x24: {  	[sflag:s12] =	ssyncadd.s32 $0xFFFFC000;
	s17 =	smov.u32 s18;
	s20 =	sadd.s32 $0x200, s18  }
0x25: {  	[tilespmem:s15], [sflag:$0x1] =	stream.indirect.gather [hbm4b:s4+s14], $0x80, s19, s14, $0xb8;
	[tilespmem:$0x1CB00] =	vst v63  }
0x26: {  	p0 =	sne.s32 s18, $0x9C00;
	_ =	swait.ge [sflag:s12], $0x4000  }
.Ltmp0:
0x27: {  	[sflag:s12] =	ssyncset.done $0x0;
	(pc) =	sbr.rel @p0 .LBB2_2-.Ltmp0, $4  }
0x28: {  	s18 =	sadd.s32 $0x2780, s19;
	[sflag:s12] =	ssyncadd.s32 $0xFFFFC000  }
0x29: {  	[spmem:s2] =	stream.indirect.scatter.add.f32 [tilespmem:s15], [sflag:$0x1], $0x80, s18, s14, $0xb8;
	[tilespmem:$0x1CB00] =	vst v63  }
0x2a: {  	_ =	swait.ge [sflag:s12], $0x4000  }
0x2b: {  	s18 =	smov.u32 s20;
	[sflag:s12] =	ssyncset.done $0x0  }
0x2c: {  	s17 =	sshra.s32 s17, $0x2;
	[sflag:s12] =	ssyncadd.s32 $0xFFFFC000  }
0x2d: {  	[tilespmem:s15], [sflag:$0x1] =	stream.indirect.gather [hbm4b:s4+s14], $0x80, s17, s14, $0xb8;
	[tilespmem:$0x1CB00] =	vst v63  }
0x2e: {  	_ =	swait.ge [sflag:s12], $0x4000  }
0x2f: {  	[sflag:s12] =	ssyncset.done $0x0  }
0x30: {  	s17 =	sadd.s32 $0x2780, s17;
	[sflag:s12] =	ssyncadd.s32 $0xFFFFC000  }
0x31: {  	[spmem:s2] =	stream.indirect.scatter.add.f32 [tilespmem:s15], [sflag:$0x1], $0x80, s17, s14, $0xb8;
	[tilespmem:$0x1CB00] =	vst v63  }
0x32: {  	_ =	swait.ge [sflag:s12], $0x4000  }
0x33: {  	s16 =	sadd.s32 $0x1, s16;
	[sflag:s12] =	ssyncset.done $0x0  }
0x34: {  	p0 =	sne.s32 s16, s10;
	[sflag:s12] =	ssyncadd.s32 $0xFFFFC000  }
.Ltmp1:
0x35: {  	[bflag:$0x0] =	sbarrier.arrive $0xFFFF;
	(pc) =	sbr.rel @p0 .LBB2_1-.Ltmp1, $4  }
0x36: {  	[hbm:s9], [sflag:s6] =	dma.local [spmem:s11], $0x2780  }
0x37: {  	_ =	swait.ge [sflag:s12], $0x2780  }
0x38: {  	[sflag:s12] =	ssyncset.done $0x0  }
0x39: {  	[sflag:s12] =	ssyncadd.s32 $0xFFFFD880  }
0x3a: {  	_ =	sfence.sel $0x180000  }
0x3b: {  	[bflag:$0x0] =	sbarrier.arrive $0xFFFF  }
0x3c: {  	p0 =	sne.s32 s0, $0x0;
	_ =	strace $0x90000047  }
0x3d: {  	s0 =	sadd.s32 @!p0 $0x100000, s1;
	[bflag:$0x2] =	sbarrier.arrive $0xFFFF  }
0x3e: {  	[sflag:s0] =	ssyncadd.tile.s32 @!p0 $0x1;
	_ =	shalt  }
.Lfunc_end2:
_tile_overlayer_lowered:
.L_overlay_start_2:
0x3f: {  	(tag) =	ssettag $0x2  }
0x40: {  	s0 =	rddreg [dreg:$0x0];
	s2 =	stileid.u32  }
0x41: {  	s1 =	rddreg [dreg:$0x1];
	p0 =	sne.s32 s2, $0x0  }
0x42: {  	s3 =	rddreg [dreg:$0x2];
	[bflag:$0x3] =	sbarrier.arrive $0xFFFF;
	s2 =	simm.s32 @!p0 $0x1C01  }
0x43: {  	[timem:s3], [sflag:s2] =	dma.local @!p0 [hbm:s0], s1  }
0x44: {  	s0 =	simm.s32 @!p0 $0x1  }
0x45: {  	_ =	swait.ge @!p0 [sflag:s0], s1  }
0x46: {  	s1 =	ssub.s32 @!p0 $0x0, s1;
	[sflag:s0] =	ssyncset.done @!p0 $0x0  }
0x47: {  	[sflag:s0] =	ssyncadd.s32 @!p0 s1  }
0x48: {  	[bflag:$0x3] =	sbarrier.arrive $0xFFFF  }
0x49: {  	_ =	shalt  }

</sc_bundles>
